<compile_context>
chip_gen: v7x
topology: tpu7x:2x2x1
jax: 0.10.2.dev20260603
libtpu: 0.0.44.dev20260713+nightly
codegen_flags: <defaults>
</compile_context>

<pallas_src>
import functools

import jax
import jax.numpy as jnp
from jax import lax
from jax.experimental import pallas as pl
from jax.experimental.pallas import tpu as pltpu
from jax.experimental.pallas import tpu_sc as plsc

K = 8192
D = 64
BETA = 0.25
TILE_M = 512
CHUNK = 2048

_SC_INFO = plsc.get_sparse_core_info()
_NC, _NS = _SC_INFO.num_cores, _SC_INFO.num_subcores
_NW = _NC * _NS


def _dist_body(z_ref, zsq_ref, c2_ref, csq_ref, k_ref, lp_ref):
    z = z_ref[...]
    dot2 = jax.lax.dot_general(
        z, c2_ref[...], (((1,), (1,)), ((), ())),
        preferred_element_type=jnp.float32)
    d = (zsq_ref[...] - dot2) + csq_ref[...]

    nch = K // CHUNK
    acc_v = cidx = minval = None
    for t in range(nch):
        m = jnp.min(d[:, t * CHUNK:(t + 1) * CHUNK], axis=1, keepdims=True)
        if t == 0:
            minval = m
            cidx = jnp.zeros((TILE_M, 1), jnp.int32)
            acc_v = m.astype(jnp.bfloat16).astype(jnp.float32)
        else:
            upd = m < acc_v
            cidx = jnp.where(upd, t, cidx)
            minval = jnp.where(upd, m, minval)
            acc_v = jnp.where(upd, m, acc_v).astype(jnp.bfloat16).astype(jnp.float32)

    dsel = d[:, :CHUNK]
    for t in range(1, nch):
        dsel = jnp.where(cidx == t, d[:, t * CHUNK:(t + 1) * CHUNK], dsel)
    iota_l = jax.lax.broadcasted_iota(jnp.int32, (TILE_M, CHUNK), 1)
    lidx = jnp.min(jnp.where(dsel == minval, iota_l, K), axis=1)
    k_ref[0, 0, :] = lidx + cidx[:, 0] * CHUNK
    lp_ref[...] = jnp.sum(minval).reshape(1, 1, 1)


_DPAD = 128


def _make_sc_gather(n_tokens):
    b_per_w = n_tokens // _NW
    mesh = plsc.VectorSubcoreMesh(core_axis_name="c", subcore_axis_name="s")

    @functools.partial(
        pl.kernel, mesh=mesh,
        out_type=[
            jax.ShapeDtypeStruct((n_tokens, _DPAD), jnp.float32),
            jax.ShapeDtypeStruct((_NC, K), jnp.int32),
        ],
        scratch_types=[
            pltpu.VMEM((b_per_w,), jnp.int32),
            pltpu.VMEM((b_per_w, _DPAD), jnp.float32),
            pltpu.VMEM((b_per_w,), jnp.int32),
            pltpu.VMEM((K,), jnp.int32),
            pltpu.VMEM_SHARED((K,), jnp.int32),
            pltpu.SemaphoreType.DMA,
        ],
    )
    def sc_gather(table_hbm, idx_hbm, zeros_hbm, ones_hbm,
                  zq_hbm, counts_hbm,
                  idx_v, rows_v, ones_v, cnt_v, shared, sem):
        cid = lax.axis_index("c")
        sid = lax.axis_index("s")
        wid = sid * _NC + cid
        base = wid * b_per_w
        pltpu.sync_copy(idx_hbm.at[pl.ds(base, b_per_w)], idx_v)
        pltpu.async_copy(table_hbm.at[idx_v], rows_v, sem).wait()
        pltpu.sync_copy(rows_v, zq_hbm.at[pl.ds(base, b_per_w)])
        pltpu.sync_copy(ones_hbm.at[pl.ds(base, b_per_w)], ones_v)

        @pl.when(sid == 0)
        def _():
            pltpu.sync_copy(zeros_hbm, cnt_v)
            pltpu.sync_copy(cnt_v, shared)

        plsc.subcore_barrier()
        pltpu.sync_copy(ones_v, shared.at[idx_v], add=True)
        plsc.subcore_barrier()

        @pl.when(sid == 0)
        def _():
            pltpu.sync_copy(shared, cnt_v)
            pltpu.sync_copy(cnt_v, counts_hbm.at[cid])

    return sc_gather


def _finish_body(counts_ref, lp_ref, util_ref, loss_ref, *, n_tokens):
    total = counts_ref[0, :] + counts_ref[1, :]
    util_ref[...] = jnp.sum((total > 0).astype(jnp.float32)).reshape(1, 1) * (1.0 / K)
    loss_ref[...] = (BETA * (jnp.sum(lp_ref[...]) / (n_tokens * D))).reshape(1, 1)


@jax.jit
def kernel(z_e, codebook):
    B, T, Dd = z_e.shape
    n = B * T
    z = z_e.reshape(n, Dd)
    zsq = jnp.sum(z ** 2, axis=1, keepdims=True)
    csq = jnp.sum(codebook ** 2, axis=1).reshape(1, K)
    c2 = codebook * 2.0
    grid = n // TILE_M

    k3, lp = pl.pallas_call(
        _dist_body,
        grid=(grid,),
        in_specs=[
            pl.BlockSpec((TILE_M, Dd), lambda i: (i, 0)),
            pl.BlockSpec((TILE_M, 1), lambda i: (i, 0)),
            pl.BlockSpec((K, Dd), lambda i: (0, 0)),
            pl.BlockSpec((1, K), lambda i: (0, 0)),
        ],
        out_specs=[
            pl.BlockSpec((1, 1, TILE_M), lambda i: (i, 0, 0)),
            pl.BlockSpec((1, 1, 1), lambda i: (i, 0, 0)),
        ],
        out_shape=[
            jax.ShapeDtypeStruct((grid, 1, TILE_M), jnp.int32),
            jax.ShapeDtypeStruct((grid, 1, 1), jnp.float32),
        ],
        compiler_params=pltpu.CompilerParams(
            dimension_semantics=("parallel",)),
    )(z, zsq, c2, csq)

    kflat = k3.reshape(n)
    table = jnp.pad(codebook, ((0, 0), (0, _DPAD - D)))
    zq_pad, counts2 = _make_sc_gather(n)(
        table, kflat,
        jnp.zeros((K,), jnp.int32), jnp.ones((n,), jnp.int32))
    zq = zq_pad[:, :D]

    util, loss = pl.pallas_call(
        functools.partial(_finish_body, n_tokens=n),
        out_shape=[
            jax.ShapeDtypeStruct((1, 1), jnp.float32),
            jax.ShapeDtypeStruct((1, 1), jnp.float32),
        ],
    )(counts2, lp.reshape(1, grid))

    zq_st = z + (zq - z)
    return (zq_st.reshape(B, T, Dd),
            kflat.reshape(B, T),
            loss.reshape(()),
            util.reshape(()))

# --- scband reference (transcript-rebuilt; emitter-appended) ---
"""Pipeline reference for scband-vector-quantizer-17540646437246 (READ-ONLY COPY).

The authoritative reference and input builder live on the scoring server;
editing this copy changes nothing except your own understanding.
"""

import jax, jax.numpy as jnp
import numpy as np

K = 8192
D = 64
BETA = 0.25


def setup_inputs(seed: int = 0) -> dict:
    key = jax.random.key(seed)
    k1, k2 = jax.random.split(key)
    z_e = jax.random.normal(k1, (16, 576, D), dtype=jnp.float32)
    # codebook initialized uniform(-1/K, 1/K) as in nn.init.uniform_
    codebook = jax.random.uniform(k2, (K, D), minval=-1.0 / K, maxval=1.0 / K, dtype=jnp.float32)
    return {"z_e": z_e, "codebook": codebook}


def reference(z_e, codebook):
    # inference-mode forward (training EMA update is a no-op here)
    B, T, Dd = z_e.shape
    z = z_e.reshape(B * T, Dd)
    # squared L2 distances to every codebook entry
    distances = jnp.sum(z ** 2, axis=1, keepdims=True) - 2.0 * (z @ codebook.T) + jnp.sum(codebook ** 2, axis=1)
    k = jnp.argmin(distances, axis=1)
    z_q = jnp.take(codebook, k, axis=0)
    # straight-through estimator
    z_q_st = z + jax.lax.stop_gradient(z_q - z)
    # use_ema=True branch: vq_loss = beta * mse(z_e, stop_grad(z_q))
    commitment_loss = jnp.mean((z - jax.lax.stop_gradient(z_q)) ** 2)
    vq_loss = BETA * commitment_loss
    # codebook utilization
    counts = jnp.bincount(k, length=K)
    utilization = jnp.sum(counts > 0).astype(jnp.float32) / K
    z_q_st = z_q_st.reshape(B, T, Dd)
    k = k.reshape(B, T)
    return (z_q_st, k, vq_loss, utilization)

if __name__ == "__main__":
    import jax
    _d = setup_inputs()
    print(jax.jit(kernel)(*tuple(_d.values())))

</pallas_src>

<mosaic_0001>
#map = affine_map<(d0, d1) -> (0, 0)>
#map1 = affine_map<(d0, d1) -> (0)>
module attributes {stable_mosaic.version = 14 : i64} {
  func.func @sc_gather(%arg0: i32, %arg1: i32, %arg2: memref<8192x128xf32, #tpu.memory_space<hbm>>, %arg3: memref<9216xi32, #tpu.memory_space<hbm>>, %arg4: memref<8192xi32, #tpu.memory_space<hbm>>, %arg5: memref<9216xi32, #tpu.memory_space<hbm>>, %arg6: memref<9216x128xf32, #tpu.memory_space<hbm>>, %arg7: memref<2x8192xi32, #tpu.memory_space<hbm>>, %arg8: memref<288xi32, #tpu.memory_space<vmem>>, %arg9: memref<288x128xf32, #tpu.memory_space<vmem>>, %arg10: memref<288xi32, #tpu.memory_space<vmem>>, %arg11: memref<8192xi32, #tpu.memory_space<vmem>>, %arg12: memref<8192xi32, #tpu.memory_space<vmem_shared>>, %arg13: memref<!tpu.dma_semaphore, #tpu.memory_space<semaphore_mem>>) attributes {dimension_semantics = [#tpu.dimension_semantics<core_parallel>, #tpu.dimension_semantics<subcore_parallel>], iteration_bounds = array<i64: 2, 16>, scalar_prefetch = 0 : i64, scratch_operands = 6 : i64, tpu.core_type = #tpu.core_type<sc_vector_subcore>, window_params = [{transform_indices = #map}, {transform_indices = #map1}, {transform_indices = #map1}, {transform_indices = #map1}, {transform_indices = #map}, {transform_indices = #map}]} {
    %mul3A = arith.constant 2 : i32
    %mul3A_0 = arith.muli %arg1, %mul3A : i32
    %add3A = arith.addi %mul3A_0, %arg0 : i32
    %mul3A_1 = arith.constant 288 : i32
    %mul3A_2 = arith.muli %add3A, %mul3A_1 : i32
    "tpu.region"() ({
      %run_scoped3A = tpu.sem_alloc : memref<!tpu.dma_semaphore, #tpu.memory_space<semaphore_mem>>
      %dma_start3A_15 = tpu.memref_slice %arg3[%mul3A_2] : memref<9216xi32, #tpu.memory_space<hbm>> -> memref<288xi32, #tpu.memory_space<hbm>>
      %dma_start3A_16 = tpu.memref_slice %arg3[%mul3A_2] : memref<9216xi32, #tpu.memory_space<hbm>> -> memref<288xi32, #tpu.memory_space<hbm>>
      tpu.enqueue_dma source(%dma_start3A_16 : memref<288xi32, #tpu.memory_space<hbm>>) target(%arg8 : memref<288xi32, #tpu.memory_space<vmem>>) target_semaphore(%run_scoped3A : memref<!tpu.dma_semaphore, #tpu.memory_space<semaphore_mem>>)
      %dma_wait3A_17 = tpu.memref_slice %arg3[%mul3A_2] : memref<9216xi32, #tpu.memory_space<hbm>> -> memref<288xi32, #tpu.memory_space<hbm>>
      %dma_wait3A_18 = tpu.memref_slice %arg3[%mul3A_2] : memref<9216xi32, #tpu.memory_space<hbm>> -> memref<288xi32, #tpu.memory_space<hbm>>
      tpu.wait_dma2 semaphore(%run_scoped3A : memref<!tpu.dma_semaphore, #tpu.memory_space<semaphore_mem>>) src(%dma_wait3A_18 : memref<288xi32, #tpu.memory_space<hbm>>) dst(%arg8 : memref<288xi32, #tpu.memory_space<vmem>>)
      tpu.yield
    }) : () -> ()
    %dma_start3A = arith.constant 0 : i32
    %dma_start3A_3 = arith.constant 0 : i32
    %dma_start3A_4 = tpu.memref_slice %arg2[%dma_start3A, %dma_start3A_3] : memref<8192x128xf32, #tpu.memory_space<hbm>> -> memref<8192x128xf32, #tpu.memory_space<hbm>>
    tpu.enqueue_indirect_dma source(%dma_start3A_4 : memref<8192x128xf32, #tpu.memory_space<hbm>>) target(%arg9 : memref<288x128xf32, #tpu.memory_space<vmem>>) offsets(%arg8 : memref<288xi32, #tpu.memory_space<vmem>>) semaphore(%arg13 : memref<!tpu.dma_semaphore, #tpu.memory_space<semaphore_mem>>)
    %dma_wait3A = arith.constant 0 : i32
    %dma_wait3A_5 = arith.constant 0 : i32
    %dma_wait3A_6 = tpu.memref_slice %arg2[%dma_wait3A, %dma_wait3A_5] : memref<8192x128xf32, #tpu.memory_space<hbm>> -> memref<8192x128xf32, #tpu.memory_space<hbm>>
    tpu.wait_indirect_dma semaphore(%arg13 : memref<!tpu.dma_semaphore, #tpu.memory_space<semaphore_mem>>) src(%dma_wait3A_6 : memref<8192x128xf32, #tpu.memory_space<hbm>>) dst(%arg9 : memref<288x128xf32, #tpu.memory_space<vmem>>)
    "tpu.region"() ({
      %run_scoped3A = tpu.sem_alloc : memref<!tpu.dma_semaphore, #tpu.memory_space<semaphore_mem>>
      %dma_start3A_15 = arith.constant 0 : i32
      %dma_start3A_16 = tpu.memref_slice %arg6[%mul3A_2, %dma_start3A_15] : memref<9216x128xf32, #tpu.memory_space<hbm>> -> memref<288x128xf32, #tpu.memory_space<hbm>>
      %dma_start3A_17 = arith.constant 0 : i32
      %dma_start3A_18 = tpu.memref_slice %arg6[%mul3A_2, %dma_start3A_17] : memref<9216x128xf32, #tpu.memory_space<hbm>> -> memref<288x128xf32, #tpu.memory_space<hbm>>
      tpu.enqueue_dma source(%arg9 : memref<288x128xf32, #tpu.memory_space<vmem>>) target(%dma_start3A_18 : memref<288x128xf32, #tpu.memory_space<hbm>>) target_semaphore(%run_scoped3A : memref<!tpu.dma_semaphore, #tpu.memory_space<semaphore_mem>>)
      %dma_wait3A_19 = arith.constant 0 : i32
      %dma_wait3A_20 = tpu.memref_slice %arg6[%mul3A_2, %dma_wait3A_19] : memref<9216x128xf32, #tpu.memory_space<hbm>> -> memref<288x128xf32, #tpu.memory_space<hbm>>
      %dma_wait3A_21 = arith.constant 0 : i32
      %dma_wait3A_22 = tpu.memref_slice %arg6[%mul3A_2, %dma_wait3A_21] : memref<9216x128xf32, #tpu.memory_space<hbm>> -> memref<288x128xf32, #tpu.memory_space<hbm>>
      tpu.wait_dma2 semaphore(%run_scoped3A : memref<!tpu.dma_semaphore, #tpu.memory_space<semaphore_mem>>) src(%arg9 : memref<288x128xf32, #tpu.memory_space<vmem>>) dst(%dma_wait3A_22 : memref<288x128xf32, #tpu.memory_space<hbm>>)
      tpu.yield
    }) : () -> ()
    "tpu.region"() ({
      %run_scoped3A = tpu.sem_alloc : memref<!tpu.dma_semaphore, #tpu.memory_space<semaphore_mem>>
      %dma_start3A_15 = tpu.memref_slice %arg5[%mul3A_2] : memref<9216xi32, #tpu.memory_space<hbm>> -> memref<288xi32, #tpu.memory_space<hbm>>
      %dma_start3A_16 = tpu.memref_slice %arg5[%mul3A_2] : memref<9216xi32, #tpu.memory_space<hbm>> -> memref<288xi32, #tpu.memory_space<hbm>>
      tpu.enqueue_dma source(%dma_start3A_16 : memref<288xi32, #tpu.memory_space<hbm>>) target(%arg10 : memref<288xi32, #tpu.memory_space<vmem>>) target_semaphore(%run_scoped3A : memref<!tpu.dma_semaphore, #tpu.memory_space<semaphore_mem>>)
      %dma_wait3A_17 = tpu.memref_slice %arg5[%mul3A_2] : memref<9216xi32, #tpu.memory_space<hbm>> -> memref<288xi32, #tpu.memory_space<hbm>>
      %dma_wait3A_18 = tpu.memref_slice %arg5[%mul3A_2] : memref<9216xi32, #tpu.memory_space<hbm>> -> memref<288xi32, #tpu.memory_space<hbm>>
      tpu.wait_dma2 semaphore(%run_scoped3A : memref<!tpu.dma_semaphore, #tpu.memory_space<semaphore_mem>>) src(%dma_wait3A_18 : memref<288xi32, #tpu.memory_space<hbm>>) dst(%arg10 : memref<288xi32, #tpu.memory_space<vmem>>)
      tpu.yield
    }) : () -> ()
    %eq3A = arith.constant 0 : i32
    %eq3A_7 = arith.cmpi eq, %arg1, %eq3A : i32
    %convert_element_type3A = arith.extui %eq3A_7 : i1 to i32
    %cond3A = arith.constant 0 : i32
    %cond3A_8 = arith.cmpi ne, %convert_element_type3A, %cond3A : i32
    scf.if %cond3A_8 {
      "tpu.region"() ({
        %run_scoped3A = tpu.sem_alloc : memref<!tpu.dma_semaphore, #tpu.memory_space<semaphore_mem>>
        tpu.enqueue_dma source(%arg4 : memref<8192xi32, #tpu.memory_space<hbm>>) target(%arg11 : memref<8192xi32, #tpu.memory_space<vmem>>) target_semaphore(%run_scoped3A : memref<!tpu.dma_semaphore, #tpu.memory_space<semaphore_mem>>)
        tpu.wait_dma2 semaphore(%run_scoped3A : memref<!tpu.dma_semaphore, #tpu.memory_space<semaphore_mem>>) src(%arg4 : memref<8192xi32, #tpu.memory_space<hbm>>) dst(%arg11 : memref<8192xi32, #tpu.memory_space<vmem>>)
        tpu.yield
      }) : () -> ()
      "tpu.region"() ({
        %run_scoped3A = tpu.sem_alloc : memref<!tpu.dma_semaphore, #tpu.memory_space<semaphore_mem>>
        tpu.enqueue_dma source(%arg11 : memref<8192xi32, #tpu.memory_space<vmem>>) target(%arg12 : memref<8192xi32, #tpu.memory_space<vmem_shared>>) target_semaphore(%run_scoped3A : memref<!tpu.dma_semaphore, #tpu.memory_space<semaphore_mem>>)
        tpu.wait_dma2 semaphore(%run_scoped3A : memref<!tpu.dma_semaphore, #tpu.memory_space<semaphore_mem>>) src(%arg11 : memref<8192xi32, #tpu.memory_space<vmem>>) dst(%arg12 : memref<8192xi32, #tpu.memory_space<vmem_shared>>)
        tpu.yield
      }) : () -> ()
    } else {
    }
    %barrier3A = arith.constant 0 : index
    tpu.barrier barrier_id(%barrier3A)
    "tpu.region"() ({
      %run_scoped3A = tpu.sem_alloc : memref<!tpu.dma_semaphore, #tpu.memory_space<semaphore_mem>>
      %dma_start3A_15 = arith.constant 0 : i32
      %dma_start3A_16 = tpu.memref_slice %arg12[%dma_start3A_15] : memref<8192xi32, #tpu.memory_space<vmem_shared>> -> memref<8192xi32, #tpu.memory_space<vmem_shared>>
      tpu.enqueue_indirect_dma source(%arg10 : memref<288xi32, #tpu.memory_space<vmem>>) target(%dma_start3A_16 : memref<8192xi32, #tpu.memory_space<vmem_shared>>) offsets(%arg8 : memref<288xi32, #tpu.memory_space<vmem>>) semaphore(%run_scoped3A : memref<!tpu.dma_semaphore, #tpu.memory_space<semaphore_mem>>) {add = true}
      %dma_wait3A_17 = arith.constant 0 : i32
      %dma_wait3A_18 = tpu.memref_slice %arg12[%dma_wait3A_17] : memref<8192xi32, #tpu.memory_space<vmem_shared>> -> memref<8192xi32, #tpu.memory_space<vmem_shared>>
      tpu.wait_indirect_dma semaphore(%run_scoped3A : memref<!tpu.dma_semaphore, #tpu.memory_space<semaphore_mem>>) src(%arg10 : memref<288xi32, #tpu.memory_space<vmem>>) dst(%dma_wait3A_18 : memref<8192xi32, #tpu.memory_space<vmem_shared>>)
      tpu.yield
    }) : () -> ()
    %barrier3A_9 = arith.constant 0 : index
    tpu.barrier barrier_id(%barrier3A_9)
    %eq3A_10 = arith.constant 0 : i32
    %eq3A_11 = arith.cmpi eq, %arg1, %eq3A_10 : i32
    %convert_element_type3A_12 = arith.extui %eq3A_11 : i1 to i32
    %cond3A_13 = arith.constant 0 : i32
    %cond3A_14 = arith.cmpi ne, %convert_element_type3A_12, %cond3A_13 : i32
    scf.if %cond3A_14 {
      "tpu.region"() ({
        %run_scoped3A = tpu.sem_alloc : memref<!tpu.dma_semaphore, #tpu.memory_space<semaphore_mem>>
        tpu.enqueue_dma source(%arg12 : memref<8192xi32, #tpu.memory_space<vmem_shared>>) target(%arg11 : memref<8192xi32, #tpu.memory_space<vmem>>) target_semaphore(%run_scoped3A : memref<!tpu.dma_semaphore, #tpu.memory_space<semaphore_mem>>)
        tpu.wait_dma2 semaphore(%run_scoped3A : memref<!tpu.dma_semaphore, #tpu.memory_space<semaphore_mem>>) src(%arg12 : memref<8192xi32, #tpu.memory_space<vmem_shared>>) dst(%arg11 : memref<8192xi32, #tpu.memory_space<vmem>>)
        tpu.yield
      }) : () -> ()
      "tpu.region"() ({
        %run_scoped3A = tpu.sem_alloc : memref<!tpu.dma_semaphore, #tpu.memory_space<semaphore_mem>>
        %dma_start3A_15 = arith.constant 0 : i32
        %dma_start3A_16 = tpu.memref_slice %arg7[%arg0, %dma_start3A_15] : memref<2x8192xi32, #tpu.memory_space<hbm>> -> memref<1x8192xi32, #tpu.memory_space<hbm>>
        %dma_start3A_17 = tpu.memref_squeeze %dma_start3A_16 : memref<1x8192xi32, #tpu.memory_space<hbm>> -> memref<8192xi32, #tpu.memory_space<hbm>>
        %dma_start3A_18 = arith.constant 0 : i32
        %dma_start3A_19 = tpu.memref_slice %arg7[%arg0, %dma_start3A_18] : memref<2x8192xi32, #tpu.memory_space<hbm>> -> memref<1x8192xi32, #tpu.memory_space<hbm>>
        %dma_start3A_20 = tpu.memref_squeeze %dma_start3A_19 : memref<1x8192xi32, #tpu.memory_space<hbm>> -> memref<8192xi32, #tpu.memory_space<hbm>>
        tpu.enqueue_dma source(%arg11 : memref<8192xi32, #tpu.memory_space<vmem>>) target(%dma_start3A_20 : memref<8192xi32, #tpu.memory_space<hbm>>) target_semaphore(%run_scoped3A : memref<!tpu.dma_semaphore, #tpu.memory_space<semaphore_mem>>)
        %dma_wait3A_21 = arith.constant 0 : i32
        %dma_wait3A_22 = tpu.memref_slice %arg7[%arg0, %dma_wait3A_21] : memref<2x8192xi32, #tpu.memory_space<hbm>> -> memref<1x8192xi32, #tpu.memory_space<hbm>>
        %dma_wait3A_23 = tpu.memref_squeeze %dma_wait3A_22 : memref<1x8192xi32, #tpu.memory_space<hbm>> -> memref<8192xi32, #tpu.memory_space<hbm>>
        %dma_wait3A_24 = arith.constant 0 : i32
        %dma_wait3A_25 = tpu.memref_slice %arg7[%arg0, %dma_wait3A_24] : memref<2x8192xi32, #tpu.memory_space<hbm>> -> memref<1x8192xi32, #tpu.memory_space<hbm>>
        %dma_wait3A_26 = tpu.memref_squeeze %dma_wait3A_25 : memref<1x8192xi32, #tpu.memory_space<hbm>> -> memref<8192xi32, #tpu.memory_space<hbm>>
        tpu.wait_dma2 semaphore(%run_scoped3A : memref<!tpu.dma_semaphore, #tpu.memory_space<semaphore_mem>>) src(%arg11 : memref<8192xi32, #tpu.memory_space<vmem>>) dst(%dma_wait3A_26 : memref<8192xi32, #tpu.memory_space<hbm>>)
        tpu.yield
      }) : () -> ()
    } else {
    }
    return
  }
}

module attributes {stable_mosaic.version = 14 : i64} {
  func.func @_dist_body(%arg0: i32, %arg1: memref<512x64xf32, #tpu.memory_space<vmem>>, %arg2: memref<512x1xf32, #tpu.memory_space<vmem>>, %arg3: memref<8192x64xf32, #tpu.memory_space<vmem>>, %arg4: memref<1x8192xf32, #tpu.memory_space<vmem>>, %arg5: memref<1x1x512xi32, #tpu.memory_space<vmem>>, %arg6: memref<1x1x1xf32, #tpu.memory_space<vmem>>) attributes {dimension_semantics = [#tpu.dimension_semantics<parallel>], iteration_bounds = array<i64: 18>, scalar_prefetch = 0 : i64, scratch_operands = 0 : i64, tpu.core_type = #tpu.core_type<tc>, window_params = [{transform_indices = @transform_0, window_bounds = array<i64: 512, 64>}, {transform_indices = @transform_1, window_bounds = array<i64: 512, 1>}, {pipeline_mode = #tpu.pipeline_mode<synchronous>, transform_indices = @transform_2, window_bounds = array<i64: 8192, 64>}, {pipeline_mode = #tpu.pipeline_mode<synchronous>, transform_indices = @transform_3, window_bounds = array<i64: 1, 8192>}, {transform_indices = @transform_4, window_bounds = array<i64: 1, 1, 512>}, {transform_indices = @transform_5, window_bounds = array<i64: 1, 1, 1>}]} {
    %get3A = arith.constant 0 : index
    %get3A_0 = arith.constant 0 : index
    %get3A_1 = vector.load %arg1[%get3A, %get3A_0] : memref<512x64xf32, #tpu.memory_space<vmem>>, vector<512x64xf32>
    %get3A_2 = arith.constant 0 : index
    %get3A_3 = arith.constant 0 : index
    %get3A_4 = vector.load %arg3[%get3A_2, %get3A_3] : memref<8192x64xf32, #tpu.memory_space<vmem>>, vector<8192x64xf32>
    %dot_general3A = arith.constant dense<0.000000e+00> : vector<512x8192xf32>
    %dot_general3A_5 = tpu.matmul %get3A_1, %get3A_4, %dot_general3A {dimension_numbers = #tpu.dot_dimension_numbers<[1], [1], [0], [0], [0, 0, 1, 0], [], []>, transpose_lhs_hint = false} : vector<512x64xf32>, vector<8192x64xf32>, vector<512x8192xf32> -> vector<512x8192xf32>
    %get3A_6 = arith.constant 0 : index
    %get3A_7 = arith.constant 0 : index
    %get3A_8 = vector.load %arg2[%get3A_6, %get3A_7] : memref<512x1xf32, #tpu.memory_space<vmem>>, vector<512x1xf32>
    %sub3A = vector.broadcast %get3A_8 : vector<512x1xf32> to vector<512x8192xf32>
    %sub3A_9 = arith.subf %sub3A, %dot_general3A_5 : vector<512x8192xf32>
    %get3A_10 = arith.constant 0 : index
    %get3A_11 = arith.constant 0 : index
    %get3A_12 = vector.load %arg4[%get3A_10, %get3A_11] : memref<1x8192xf32, #tpu.memory_space<vmem>>, vector<1x8192xf32>
    %add3A = vector.broadcast %get3A_12 : vector<1x8192xf32> to vector<512x8192xf32>
    %add3A_13 = arith.addf %sub3A_9, %add3A : vector<512x8192xf32>
    %slice3A = vector.extract_strided_slice %add3A_13 {offsets = [0, 0], sizes = [512, 2048], strides = [1, 1]} : vector<512x8192xf32> to vector<512x2048xf32>
    %reduce_min3A = arith.constant dense<0x7F800000> : vector<512xf32>
    %reduce_min3A_14 = vector.multi_reduction <minimumf>, %slice3A, %reduce_min3A [1] : vector<512x2048xf32> to vector<512xf32>
    %broadcast_in_dim3A = vector.shape_cast %reduce_min3A_14 : vector<512xf32> to vector<512x1xf32>
    %broadcast_in_dim3A_15 = arith.constant 0 : i32
    %broadcast_in_dim3A_16 = vector.broadcast %broadcast_in_dim3A_15 : i32 to vector<512x1xi32>
    %convert_element_type3A = arith.truncf %broadcast_in_dim3A : vector<512x1xf32> to vector<512x1xbf16>
    %convert_element_type3A_17 = arith.extf %convert_element_type3A : vector<512x1xbf16> to vector<512x1xf32>
    %slice3A_18 = vector.extract_strided_slice %add3A_13 {offsets = [0, 2048], sizes = [512, 2048], strides = [1, 1]} : vector<512x8192xf32> to vector<512x2048xf32>
    %reduce_min3A_19 = arith.constant dense<0x7F800000> : vector<512xf32>
    %reduce_min3A_20 = vector.multi_reduction <minimumf>, %slice3A_18, %reduce_min3A_19 [1] : vector<512x2048xf32> to vector<512xf32>
    %broadcast_in_dim3A_21 = vector.shape_cast %reduce_min3A_20 : vector<512xf32> to vector<512x1xf32>
    %lt3A = arith.cmpf olt, %broadcast_in_dim3A_21, %convert_element_type3A_17 : vector<512x1xf32>
    %jit3A = arith.constant 1 : i32
    %broadcast_in_dim3A_22 = vector.broadcast %jit3A : i32 to vector<512x1xi32>
    %select_n3A = arith.select %lt3A, %broadcast_in_dim3A_22, %broadcast_in_dim3A_16 : vector<512x1xi1>, vector<512x1xi32>
    %select_n3A_23 = arith.select %lt3A, %broadcast_in_dim3A_21, %broadcast_in_dim3A : vector<512x1xi1>, vector<512x1xf32>
    %select_n3A_24 = arith.select %lt3A, %broadcast_in_dim3A_21, %convert_element_type3A_17 : vector<512x1xi1>, vector<512x1xf32>
    %convert_element_type3A_25 = arith.truncf %select_n3A_24 : vector<512x1xf32> to vector<512x1xbf16>
    %convert_element_type3A_26 = arith.extf %convert_element_type3A_25 : vector<512x1xbf16> to vector<512x1xf32>
    %slice3A_27 = vector.extract_strided_slice %add3A_13 {offsets = [0, 4096], sizes = [512, 2048], strides = [1, 1]} : vector<512x8192xf32> to vector<512x2048xf32>
    %reduce_min3A_28 = arith.constant dense<0x7F800000> : vector<512xf32>
    %reduce_min3A_29 = vector.multi_reduction <minimumf>, %slice3A_27, %reduce_min3A_28 [1] : vector<512x2048xf32> to vector<512xf32>
    %broadcast_in_dim3A_30 = vector.shape_cast %reduce_min3A_29 : vector<512xf32> to vector<512x1xf32>
    %lt3A_31 = arith.cmpf olt, %broadcast_in_dim3A_30, %convert_element_type3A_26 : vector<512x1xf32>
    %jit3A_32 = arith.constant 2 : i32
    %broadcast_in_dim3A_33 = vector.broadcast %jit3A_32 : i32 to vector<512x1xi32>
    %select_n3A_34 = arith.select %lt3A_31, %broadcast_in_dim3A_33, %select_n3A : vector<512x1xi1>, vector<512x1xi32>
    %select_n3A_35 = arith.select %lt3A_31, %broadcast_in_dim3A_30, %select_n3A_23 : vector<512x1xi1>, vector<512x1xf32>
    %select_n3A_36 = arith.select %lt3A_31, %broadcast_in_dim3A_30, %convert_element_type3A_26 : vector<512x1xi1>, vector<512x1xf32>
    %convert_element_type3A_37 = arith.truncf %select_n3A_36 : vector<512x1xf32> to vector<512x1xbf16>
    %convert_element_type3A_38 = arith.extf %convert_element_type3A_37 : vector<512x1xbf16> to vector<512x1xf32>
    %slice3A_39 = vector.extract_strided_slice %add3A_13 {offsets = [0, 6144], sizes = [512, 2048], strides = [1, 1]} : vector<512x8192xf32> to vector<512x2048xf32>
    %reduce_min3A_40 = arith.constant dense<0x7F800000> : vector<512xf32>
    %reduce_min3A_41 = vector.multi_reduction <minimumf>, %slice3A_39, %reduce_min3A_40 [1] : vector<512x2048xf32> to vector<512xf32>
    %broadcast_in_dim3A_42 = vector.shape_cast %reduce_min3A_41 : vector<512xf32> to vector<512x1xf32>
    %lt3A_43 = arith.cmpf olt, %broadcast_in_dim3A_42, %convert_element_type3A_38 : vector<512x1xf32>
    %jit3A_44 = arith.constant 3 : i32
    %broadcast_in_dim3A_45 = vector.broadcast %jit3A_44 : i32 to vector<512x1xi32>
    %select_n3A_46 = arith.select %lt3A_43, %broadcast_in_dim3A_45, %select_n3A_34 : vector<512x1xi1>, vector<512x1xi32>
    %select_n3A_47 = arith.select %lt3A_43, %broadcast_in_dim3A_42, %select_n3A_35 : vector<512x1xi1>, vector<512x1xf32>
    %slice3A_48 = vector.extract_strided_slice %add3A_13 {offsets = [0, 0], sizes = [512, 2048], strides = [1, 1]} : vector<512x8192xf32> to vector<512x2048xf32>
    %eq3A = arith.constant 1 : i32
    %eq3A_49 = vector.broadcast %eq3A : i32 to vector<512x1xi32>
    %eq3A_50 = arith.cmpi eq, %select_n3A_46, %eq3A_49 : vector<512x1xi32>
    %slice3A_51 = vector.extract_strided_slice %add3A_13 {offsets = [0, 2048], sizes = [512, 2048], strides = [1, 1]} : vector<512x8192xf32> to vector<512x2048xf32>
    %broadcast_in_dim3A_52 = vector.shape_cast %eq3A_50 : vector<512x1xi1> to vector<512x1xi1>
    %broadcast_in_dim3A_53 = vector.broadcast %broadcast_in_dim3A_52 : vector<512x1xi1> to vector<512x2048xi1>
    %select_n3A_54 = arith.select %broadcast_in_dim3A_53, %slice3A_51, %slice3A_48 : vector<512x2048xi1>, vector<512x2048xf32>
    %eq3A_55 = arith.constant 2 : i32
    %eq3A_56 = vector.broadcast %eq3A_55 : i32 to vector<512x1xi32>
    %eq3A_57 = arith.cmpi eq, %select_n3A_46, %eq3A_56 : vector<512x1xi32>
    %slice3A_58 = vector.extract_strided_slice %add3A_13 {offsets = [0, 4096], sizes = [512, 2048], strides = [1, 1]} : vector<512x8192xf32> to vector<512x2048xf32>
    %broadcast_in_dim3A_59 = vector.shape_cast %eq3A_57 : vector<512x1xi1> to vector<512x1xi1>
    %broadcast_in_dim3A_60 = vector.broadcast %broadcast_in_dim3A_59 : vector<512x1xi1> to vector<512x2048xi1>
    %select_n3A_61 = arith.select %broadcast_in_dim3A_60, %slice3A_58, %select_n3A_54 : vector<512x2048xi1>, vector<512x2048xf32>
    %eq3A_62 = arith.constant 3 : i32
    %eq3A_63 = vector.broadcast %eq3A_62 : i32 to vector<512x1xi32>
    %eq3A_64 = arith.cmpi eq, %select_n3A_46, %eq3A_63 : vector<512x1xi32>
    %slice3A_65 = vector.extract_strided_slice %add3A_13 {offsets = [0, 6144], sizes = [512, 2048], strides = [1, 1]} : vector<512x8192xf32> to vector<512x2048xf32>
    %broadcast_in_dim3A_66 = vector.shape_cast %eq3A_64 : vector<512x1xi1> to vector<512x1xi1>
    %broadcast_in_dim3A_67 = vector.broadcast %broadcast_in_dim3A_66 : vector<512x1xi1> to vector<512x2048xi1>
    %select_n3A_68 = arith.select %broadcast_in_dim3A_67, %slice3A_65, %select_n3A_61 : vector<512x2048xi1>, vector<512x2048xf32>
    %iota3A = tpu.iota {dimensions = array<i32: 1>} : vector<512x2048xi32>
    %eq3A_69 = vector.broadcast %select_n3A_47 : vector<512x1xf32> to vector<512x2048xf32>
    %eq3A_70 = arith.cmpf oeq, %select_n3A_68, %eq3A_69 : vector<512x2048xf32>
    %jit3A_71 = arith.constant 8192 : i32
    %broadcast_in_dim3A_72 = vector.broadcast %jit3A_71 : i32 to vector<512x2048xi32>
    %select_n3A_73 = arith.select %eq3A_70, %iota3A, %broadcast_in_dim3A_72 : vector<512x2048xi1>, vector<512x2048xi32>
    %reduce_min3A_74 = arith.constant dense<2147483647> : vector<512xi32>
    %reduce_min3A_75 = vector.multi_reduction <minsi>, %select_n3A_73, %reduce_min3A_74 [1] : vector<512x2048xi32> to vector<512xi32>
    %squeeze3A = vector.shape_cast %select_n3A_46 : vector<512x1xi32> to vector<512xi32>
    %mul3A = arith.constant 2048 : i32
    %mul3A_76 = vector.broadcast %mul3A : i32 to vector<512xi32>
    %mul3A_77 = arith.muli %squeeze3A, %mul3A_76 : vector<512xi32>
    %add3A_78 = arith.addi %reduce_min3A_75, %mul3A_77 : vector<512xi32>
    %swap3A = arith.constant 0 : index
    %swap3A_79 = arith.constant 0 : index
    %swap3A_80 = arith.constant 0 : index
    %swap3A_81 = vector.load %arg5[%swap3A, %swap3A_79, %swap3A_80] : memref<1x1x512xi32, #tpu.memory_space<vmem>>, vector<1x1x512xi32>
    %swap3A_82 = vector.shape_cast %swap3A_81 : vector<1x1x512xi32> to vector<512xi32>
    %swap3A_83 = vector.shape_cast %add3A_78 : vector<512xi32> to vector<1x1x512xi32>
    tpu.vector_store %arg5[%swap3A, %swap3A_79, %swap3A_80], %swap3A_83 {strides = array<i32>} : memref<1x1x512xi32, #tpu.memory_space<vmem>>, vector<1x1x512xi32>,
    %reduce_sum3A = vector.shape_cast %select_n3A_47 : vector<512x1xf32> to vector<1x512x1xf32>
    %reduce_sum3A_84 = arith.constant dense<0.000000e+00> : vector<1xf32>
    %reduce_sum3A_85 = vector.multi_reduction <add>, %reduce_sum3A, %reduce_sum3A_84 [1, 2] : vector<1x512x1xf32> to vector<1xf32>
    %reduce_sum3A_86 = vector.shape_cast %reduce_sum3A_85 : vector<1xf32> to vector<1x1x1xf32>
    %reduce_sum3A_87 = vector.extract %reduce_sum3A_86[0, 0, 0] : f32 from vector<1x1x1xf32>
    %reshape3A = vector.broadcast %reduce_sum3A_87 : f32 to vector<1x1x1xf32>
    %swap3A_88 = arith.constant 0 : index
    %swap3A_89 = arith.constant 0 : index
    %swap3A_90 = arith.constant 0 : index
    %swap3A_91 = vector.load %arg6[%swap3A_88, %swap3A_89, %swap3A_90] : memref<1x1x1xf32, #tpu.memory_space<vmem>>, vector<1x1x1xf32>
    tpu.vector_store %arg6[%swap3A_88, %swap3A_89, %swap3A_90], %reshape3A {strides = array<i32>} : memref<1x1x1xf32, #tpu.memory_space<vmem>>, vector<1x1x1xf32>,
    return
  }
  func.func @transform_0(%arg0: i32) -> (i32, i32) {
    %c0_i32 = arith.constant 0 : i32
    %c0_i32_0 = arith.constant 0 : i32
    return %arg0, %c0_i32 : i32, i32
  }
  func.func @transform_1(%arg0: i32) -> (i32, i32) {
    %c0_i32 = arith.constant 0 : i32
    %c0_i32_0 = arith.constant 0 : i32
    return %arg0, %c0_i32 : i32, i32
  }
  func.func @transform_2(%arg0: i32) -> (i32, i32) {
    %c0_i32 = arith.constant 0 : i32
    %c0_i32_0 = arith.constant 0 : i32
    %c0_i32_1 = arith.constant 0 : i32
    return %c0_i32, %c0_i32_0 : i32, i32
  }
  func.func @transform_3(%arg0: i32) -> (i32, i32) {
    %c0_i32 = arith.constant 0 : i32
    %c0_i32_0 = arith.constant 0 : i32
    %c0_i32_1 = arith.constant 0 : i32
    return %c0_i32, %c0_i32_0 : i32, i32
  }
  func.func @transform_4(%arg0: i32) -> (i32, i32, i32) {
    %c0_i32 = arith.constant 0 : i32
    %c0_i32_0 = arith.constant 0 : i32
    %c0_i32_1 = arith.constant 0 : i32
    return %arg0, %c0_i32, %c0_i32_0 : i32, i32, i32
  }
  func.func @transform_5(%arg0: i32) -> (i32, i32, i32) {
    %c0_i32 = arith.constant 0 : i32
    %c0_i32_0 = arith.constant 0 : i32
    %c0_i32_1 = arith.constant 0 : i32
    return %arg0, %c0_i32, %c0_i32_0 : i32, i32, i32
  }
}

module attributes {stable_mosaic.version = 14 : i64} {
  func.func @_finish_body(%arg0: memref<2x8192xi32, #tpu.memory_space<vmem>>, %arg1: memref<1x18xf32, #tpu.memory_space<vmem>>, %arg2: memref<1x1xf32, #tpu.memory_space<vmem>>, %arg3: memref<1x1xf32, #tpu.memory_space<vmem>>) attributes {dimension_semantics = [], scalar_prefetch = 0 : i64, scratch_operands = 0 : i64, tpu.core_type = #tpu.core_type<tc>} {
    %get3A = arith.constant 0 : index
    %get3A_0 = arith.constant 0 : index
    %get3A_1 = vector.load %arg0[%get3A, %get3A_0] : memref<2x8192xi32, #tpu.memory_space<vmem>>, vector<1x8192xi32>
    %get3A_2 = vector.shape_cast %get3A_1 : vector<1x8192xi32> to vector<8192xi32>
    %get3A_3 = arith.constant 1 : index
    %get3A_4 = arith.constant 0 : index
    %get3A_5 = vector.load %arg0[%get3A_3, %get3A_4] : memref<2x8192xi32, #tpu.memory_space<vmem>>, vector<1x8192xi32>
    %get3A_6 = vector.shape_cast %get3A_5 : vector<1x8192xi32> to vector<8192xi32>
    %add3A = arith.addi %get3A_2, %get3A_6 : vector<8192xi32>
    %gt3A = arith.constant 0 : i32
    %gt3A_7 = vector.broadcast %gt3A : i32 to vector<8192xi32>
    %gt3A_8 = arith.cmpi sgt, %add3A, %gt3A_7 : vector<8192xi32>
    %convert_element_type3A = arith.extui %gt3A_8 : vector<8192xi1> to vector<8192xi32>
    %convert_element_type3A_9 = arith.sitofp %convert_element_type3A : vector<8192xi32> to vector<8192xf32>
    %reduce_sum3A = vector.shape_cast %convert_element_type3A_9 : vector<8192xf32> to vector<1x8192xf32>
    %reduce_sum3A_10 = arith.constant dense<0.000000e+00> : vector<1xf32>
    %reduce_sum3A_11 = vector.multi_reduction <add>, %reduce_sum3A, %reduce_sum3A_10 [1] : vector<1x8192xf32> to vector<1xf32>
    %reduce_sum3A_12 = vector.shape_cast %reduce_sum3A_11 : vector<1xf32> to vector<1x1xf32>
    %reduce_sum3A_13 = vector.extract %reduce_sum3A_12[0, 0] : f32 from vector<1x1xf32>
    %reshape3A = vector.broadcast %reduce_sum3A_13 : f32 to vector<1x1xf32>
    %mul3A = arith.constant 1.22070313E-4 : f32
    %mul3A_14 = vector.broadcast %mul3A : f32 to vector<1x1xf32>
    %mul3A_15 = arith.mulf %reshape3A, %mul3A_14 : vector<1x1xf32>
    %swap3A = arith.constant 0 : index
    %swap3A_16 = arith.constant 0 : index
    %swap3A_17 = vector.load %arg2[%swap3A, %swap3A_16] : memref<1x1xf32, #tpu.memory_space<vmem>>, vector<1x1xf32>
    tpu.vector_store %arg2[%swap3A, %swap3A_16], %mul3A_15 {strides = array<i32>} : memref<1x1xf32, #tpu.memory_space<vmem>>, vector<1x1xf32>,
    %get3A_18 = arith.constant 0 : index
    %get3A_19 = arith.constant 0 : index
    %get3A_20 = vector.load %arg1[%get3A_18, %get3A_19] : memref<1x18xf32, #tpu.memory_space<vmem>>, vector<1x18xf32>
    %reduce_sum3A_21 = vector.shape_cast %get3A_20 : vector<1x18xf32> to vector<1x1x18xf32>
    %reduce_sum3A_22 = arith.constant dense<0.000000e+00> : vector<1xf32>
    %reduce_sum3A_23 = vector.multi_reduction <add>, %reduce_sum3A_21, %reduce_sum3A_22 [1, 2] : vector<1x1x18xf32> to vector<1xf32>
    %reduce_sum3A_24 = vector.shape_cast %reduce_sum3A_23 : vector<1xf32> to vector<1x1x1xf32>
    %reduce_sum3A_25 = vector.extract %reduce_sum3A_24[0, 0, 0] : f32 from vector<1x1x1xf32>
    %div3A = arith.constant 5.898240e+05 : f32
    %div3A_26 = arith.divf %reduce_sum3A_25, %div3A : f32
    %mul3A_27 = arith.constant 2.500000e-01 : f32
    %mul3A_28 = arith.mulf %mul3A_27, %div3A_26 : f32
    %reshape3A_29 = vector.broadcast %mul3A_28 : f32 to vector<1x1xf32>
    %swap3A_30 = arith.constant 0 : index
    %swap3A_31 = arith.constant 0 : index
    %swap3A_32 = vector.load %arg3[%swap3A_30, %swap3A_31] : memref<1x1xf32, #tpu.memory_space<vmem>>, vector<1x1xf32>
    tpu.vector_store %arg3[%swap3A_30, %swap3A_31], %reshape3A_29 {strides = array<i32>} : memref<1x1xf32, #tpu.memory_space<vmem>>, vector<1x1xf32>,
    return
  }
}

</mosaic_0001>

<sc_bundles>
// kernel: kernel.5.cloned.1.call-start
scs
__scs_entry_jumppad:
0x0: {  	(pc) =	sbr.rel $0x88, $3  }
0x1: {  	(tag) =	ssettag $0x0;
	lr =	simm.s32 $0x1  }
0x2: {  	[smem:$0x3F9F] =	sst lr;
	_ =	strace $0xD0000000  }
0x3: {  	_ = 	snop  }
0x4: {  	_ = 	snop  }
0x5: {  	_ = 	snop  }
0x6: {  	_ = 	snop  }
0x7: {  	_ = 	snop  }
__scs_overlays_trampoline_lowered:
0x8: {  	[smem:$0x3FAE] =	sst s0  }
0x9: {  	[smem:$0x3FAF] =	sst s1  }
0xa: {  	[smem:$0x3FB0] =	sst s2  }
0xb: {  	[smem:$0x3FB1] =	sst s3  }
0xc: {  	[smem:$0x3FB2] =	sst s4  }
0xd: {  	[smem:$0x3FB3] =	sst s5  }
0xe: {  	[smem:$0x3FB4] =	sst s6  }
0xf: {  	[smem:$0x3FB5] =	sst s7  }
0x10: {  	[smem:$0x3FB6] =	sst s8  }
0x11: {  	[smem:$0x3FB7] =	sst s9;
	s0 =	simm.s32 @!p0 $0x0  }
0x12: {  	s1 =	sld [smem:$0x3F9D];
	s0 =	simm.s32 @p0 $0x1  }
0x13: {  	[smem:$0x3FB8] =	sst s0;
	s0 =	simm.s32 @!p1 $0x0  }
0x14: {  	s2 =	sld [smem:$0x3F9C];
	s0 =	simm.s32 @p1 $0x1  }
0x15: {  	[smem:$0x3FB9] =	sst s0;
	s0 =	simm.s32 @!p2 $0x0  }
0x16: {  	s3 =	sld [smem:$0x3FDB];
	s0 =	simm.s32 @p2 $0x1  }
0x17: {  	s4 =	simm.s32 $0x1BF5;
	[smem:$0x3FBB] =	sst s0  }
0x18: {  	s0 =	sld [smem:$0x3F9E];
	_ =	swait.ge [sflag:s4], $0x0  }
0x19: {  	s7 =	sld [smem:$0x3F9F]  }
0x1a: {  	s8 =	sadd.s32 $0xFFFFE003, lr  }
0x1b: {  	s9 =	sadd.s32 $0xFFFFFEF7, lr;
	s5 =	simm.s32 $0xFFFFFFFF;
	p2 =	slt.u32 s8, $0xFFFFF086  }
0x1c: {  	p1 =	slt.u32 s9, $0xF7A;
	s5 =	simm.s32 @!p2 $0x0  }
0x1d: {  	s5 =	simm.s32 @p1 $0x1;
	p0 =	seq.s32 s7, s2  }
0x1e: {  	s7 =	smul.u32 @!p0 $0xF7A, s2;
	p2 =	seq.s32 @!p0 s5, $0x0  }
0x1f: {  	s9 =	smul.u32 $0xF7A, s1;
	s8 =	simm.s32 @!p0 $0x1BF5;
	p2 =	por !p2, p0  }
0x20: {  	[sflag:s8] =	ssyncset.s32 @!p0 $0xFFFFF086;
	s6 =	sadd.s32 @!p0 s3, s7;
	s7 =	simm.s32 @!p0 $0x108  }
0x21: {  	s3 =	sadd.s32 s3, s9;
	s6 =	sadd.s32 @!p0 $0x88, s6;
	s7 =	simm.s32 @p2 $0x1082  }
0x22: {  	[simem:s7], [sflag:s8] =	dma.local @!p0 [hbm:s6], $0xF7A  }
0x23: {  	s9 =	sor.u32 $0xD0000000, s2;
	s6 =	simm.s32 $0x108;
	_ =	swait.ge @!p0 [sflag:s8], $0x0  }
0x24: {  	s3 =	sadd.s32 $0x88, s3;
	s6 =	simm.s32 @!p1 $0x1082;
	[sflag:s4] =	ssyncset.s32 $0xFFFFF086  }
0x25: {  	[simem:s6], [sflag:s4] =	dma.local [hbm:s3], $0xF7A  }
0x26: {  	[smem:$0x3F9F] =	sst s1;
	(tag) =	ssettag s2;
	_ =	strace s9  }
0x27: {  	s1 =	sld [smem:$0x3FAF]  }
0x28: {  	s2 =	sld [smem:$0x3FB0]  }
0x29: {  	s4 =	sld [smem:$0x3FB2]  }
0x2a: {  	p0 =	seq.s32 s5, $0x0;
	s5 =	sld [smem:$0x3FB3]  }
0x2b: {  	s6 =	sld [smem:$0x3FB4]  }
0x2c: {  	s7 =	sld [smem:$0x3FB5]  }
0x2d: {  	s3 =	simm.s32 $0x108;
	s8 =	sld [smem:$0x3FB6]  }
0x2e: {  	s3 =	simm.s32 @!p0 $0x1082;
	s9 =	sld [smem:$0x3FB7]  }
0x2f: {  	lr =	sadd.s32 s0, s3;
	s0 =	sld [smem:$0x3FAE]  }
0x30: {  	s3 =	sld [smem:$0x3FB1]  }
0x31: {  	[smem:$0x3FBA] =	sst s10  }
0x32: {  	s10 =	sld [smem:$0x3FB8];
	_ =	sdelay $0x3  }
0x33: {  	p0 =	seq.s32 s10, $0x1;
	s10 =	sld [smem:$0x3FBA];
	_ =	sdelay $0x3  }
0x34: {  	[smem:$0x3FBA] =	sst s10  }
0x35: {  	s10 =	sld [smem:$0x3FB9];
	_ =	sdelay $0x3  }
0x36: {  	p1 =	seq.s32 s10, $0x1;
	s10 =	sld [smem:$0x3FBA];
	_ =	sdelay $0x3  }
0x37: {  	[smem:$0x3FBA] =	sst s10  }
0x38: {  	s10 =	sld [smem:$0x3FBB]  }
0x39: {  	_ = 	snop;
	(pc) =	sbr.ind lr, $3  }
0x3a: {  	_ = 	snop  }
0x3b: {  	_ = 	snop  }
0x3c: {  	p2 =	seq.s32 s10, $0x1;
	s10 =	sld [smem:$0x3FBA]  }
0x3d: {  	_ =	shalt  }
0x3e: {  	_ =	shalt  }
0x3f: {  	_ =	shalt  }
0x40: {  	_ =	shalt  }
0x41: {  	_ =	shalt  }
0x42: {  	_ =	shalt  }
0x43: {  	_ =	shalt  }
0x44: {  	_ =	shalt  }
0x45: {  	_ =	shalt  }
0x46: {  	_ =	shalt  }
0x47: {  	_ =	shalt  }
0x48: {  	_ =	shalt  }
0x49: {  	_ =	shalt  }
0x4a: {  	_ =	shalt  }
0x4b: {  	_ =	shalt  }
0x4c: {  	_ =	shalt  }
0x4d: {  	_ =	shalt  }
0x4e: {  	_ =	shalt  }
0x4f: {  	_ =	shalt  }
0x50: {  	_ =	shalt  }
0x51: {  	_ =	shalt  }
0x52: {  	_ =	shalt  }
0x53: {  	_ =	shalt  }
0x54: {  	_ =	shalt  }
0x55: {  	_ =	shalt  }
0x56: {  	_ =	shalt  }
0x57: {  	_ =	shalt  }
0x58: {  	_ =	shalt  }
0x59: {  	_ =	shalt  }
0x5a: {  	_ =	shalt  }
0x5b: {  	_ =	shalt  }
0x5c: {  	_ =	shalt  }
0x5d: {  	_ =	shalt  }
0x5e: {  	_ =	shalt  }
0x5f: {  	_ =	shalt  }
0x60: {  	_ =	shalt  }
0x61: {  	_ =	shalt  }
0x62: {  	_ =	shalt  }
0x63: {  	_ =	shalt  }
0x64: {  	_ =	shalt  }
0x65: {  	_ =	shalt  }
0x66: {  	_ =	shalt  }
0x67: {  	_ =	shalt  }
0x68: {  	_ =	shalt  }
0x69: {  	_ =	shalt  }
0x6a: {  	_ =	shalt  }
0x6b: {  	_ =	shalt  }
0x6c: {  	_ =	shalt  }
0x6d: {  	_ =	shalt  }
0x6e: {  	_ =	shalt  }
0x6f: {  	_ =	shalt  }
0x70: {  	_ =	shalt  }
0x71: {  	_ =	shalt  }
0x72: {  	_ =	shalt  }
0x73: {  	_ =	shalt  }
0x74: {  	_ =	shalt  }
0x75: {  	_ =	shalt  }
0x76: {  	_ =	shalt  }
0x77: {  	_ =	shalt  }
0x78: {  	_ =	shalt  }
0x79: {  	_ =	shalt  }
0x7a: {  	_ =	shalt  }
0x7b: {  	_ =	shalt  }
0x7c: {  	_ =	shalt  }
0x7d: {  	_ =	shalt  }
0x7e: {  	_ =	shalt  }
0x7f: {  	_ =	shalt  }
0x80: {  	_ =	shalt  }
0x81: {  	_ =	shalt  }
0x82: {  	_ =	shalt  }
0x83: {  	_ =	shalt  }
0x84: {  	_ =	shalt  }
0x85: {  	_ =	shalt  }
0x86: {  	_ =	shalt  }
0x87: {  	_ =	shalt  }
.Lfunc_end0:
.L_simem_size_0:
called_computation_lowered:
.L_overlay_start_0:
0x88: {  	s2 =	sld [smem:$0x3FD9]  }
0x89: {  	s3 =	sld [smem:$0x3FFE];
	_ =	sdelay $0x1  }
0x8a: {  	s1 =	srdreg.scid  }
0x8b: {  	s0 =	sand.u32 $0x1, s1  }
0x8c: {  	s14 =	sshll.u32 s0, $0xA;
	s2 =	sadd.s32 s3, s2  }
0x8d: {  	s2 =	sadd.s32 s2, s14  }
0x8e: {  	[smem:$0x3FC6] =	sst s2  }
0x8f: {  	_ = 	snop  }
0x90: {  	s2 =	sld [smem:$0x3FD0];
	_ =	sdelay $0x2  }
0x91: {  	s15 =	simm.s32 $0xA;
	s4 =	simm.s32 $0x10  }
0x92: {  	[smem:s4], [sflag:s15] =	dma.local [hbm:s2], $0x1  }
0x93: {  	_ =	swait.eq [sflag:s15], $0x1  }
0x94: {  	[sflag:s15] =	ssyncset.done $0x0  }
0x95: {  	[sflag:s15] =	ssyncadd.s32 $0xFFFFFFFF  }
0x96: {  	s16 =	sld [smem:$0x10];
	(tm) =	ssettm $0x1  }
0x97: {  	s17 =	sld [smem:$0x3FFB];
	_ =	sdelay $0x3  }
0x98: {  	_ =	strace s17  }
0x99: {  	s3 =	sld [smem:$0x3FFC];
	_ =	sdelay $0x3  }
0x9a: {  	_ =	strace s3  }
0x9b: {  	s3 =	sld [smem:$0x3FFD];
	_ =	sdelay $0x3  }
0x9c: {  	_ =	strace s3  }
0x9d: {  	_ =	strace $0x8FFFFFFF  }
0x9e: {  	s18 =	sld [smem:$0x3FDB];
	_ =	sdelay $0x1  }
0x9f: {  	s19 =	simm.s32 $_scs_section_size  }
0xa0: {  	s5 =	simm.s32 $_size__tile_overlayer_lowered;
	s6 =	simm.s32 $_tile_overlayer_lowered  }
0xa1: {  	s22 =	simm.s32 $0x1BFF;
	s21 =	sshll.u32 s6, $0x1;
	s3 =	sadd.s32 s19, s18  }
0xa2: {  	s7 =	simm.s32 $0x0;
	s20 =	sshll.u32 s5, $0x1;
	s5 =	sadd.s32 s21, s3  }
0xa3: {  	[timem:s7], [sflag:s22] =	dma.local [hbm:s5], s20  }
0xa4: {  	_ =	swait.ge [sflag:s22], s20  }
0xa5: {  	s4 =	ssub.s32 $0x0, s20;
	[sflag:s22] =	ssyncset.done $0x0  }
0xa6: {  	[sflag:s22] =	ssyncadd.s32 s4;
	_ =	sdelay $0x1  }
0xa7: {  	s23 =	simm.s32 $0x1B8B  }
0xa8: {  	_ =	swait.ge [sflag:s23], $0x1  }
0xa9: {  	[sflag:s23] =	ssyncset.done $0x0  }
0xaa: {  	s25 =	simm.s32 $0x1B8E;
	s24 =	sld [smem:$0x3FFE];
	[sflag:s23] =	ssyncadd.s32 $0xFFFFFFFF  }
0xab: {  	s26 =	simm.s32 $execute0_lowered;
	[smem:$0x3FD2] =	sst s25  }
0xac: {  	s5 =	sshll.u32 s26, $0x1;
	_ =	strace $0x80000046;
	[dreg:$0x1] =	wrdreg $0xFFFFFFFF  }
0xad: {  	s28 =	simm.s32 $_size_execute0_lowered;
	s3 =	sadd.s32 s3, s5;
	[dreg:$0x0] =	wrdreg $0x0  }
0xae: {  	s5 =	sshll.u32 s28, $0x1;
	[dreg:$0x2] =	wrdreg s3  }
0xaf: {  	[dreg:$0x3] =	wrdreg s5  }
0xb0: {  	[dreg:$0x4] =	wrdreg $0xC0  }
0xb1: {  	_ =	task [dreg:s7], $0x5FFFF  }
0xb2: {  	[dreg:$0x1] =	wrdreg $0xFFFFFFFF  }
0xb3: {  	[dreg:$0x0] =	wrdreg $0x60  }
0xb4: {  	[dreg:$0x2] =	wrdreg s24  }
0xb5: {  	[dreg:$0x3] =	wrdreg s16  }
0xb6: {  	[dreg:$0x4] =	wrdreg $0xB3000  }
0xb7: {  	[dreg:$0x5] =	wrdreg $0x9  }
0xb8: {  	_ =	task.clear_ibuf [dreg:s7], $0x6FFFF;
	_ =	strace $0x90000046  }
0xb9: {  	s29 =	simm.s32 $0x9;
	_ =	strace $0x80000048  }
0xba: {  	_ =	swait.ge [sflag:s29], $0x1  }
0xbb: {  	[sflag:s29] =	ssyncadd.s32 $0xFFFFFFFF  }
0xbc: {  	_ =	strace $0x90000048  }
0xbd: {  	_ =	sfence  }
0xbe: {  	s30 =	sld [smem:$0x0];
	_ =	sdelay $0x2  }
0xbf: {  	s31 =	sshll.u32 s1, $0xD;
	s1 =	sshrl.u32 s1, $0x2  }
0xc0: {  	s3 =	sand.u32 $0x4000, s31;
	s1 =	sadd.s32 s1, s30  }
0xc1: {  	s0 =	sor.u32 s3, s0;
	s1 =	sshll.u32 s1, $0x11  }
0xc2: {  	s0 =	sor.u32 s1, s0  }
0xc3: {  	s0 =	sadd.s32 $0x8F2B, s0  }
0xc4: {  	[sflag:s0] =	ssyncadd.remote.s32 $0x1  }
0xc5: {  	_ =	sfence.sel $0xFFFF  }
0xc6: {  	[dreg:$0x0] =	wrdreg $0xFFFFFFFF;
	(pc) =	sbr.abs _section_cstart, $3  }
0xc7: {  	[dreg:$0x1] =	wrdreg $0xFFFFFFFF  }
0xc8: {  	_ =	task.clear_ibuf [dreg:s7], $0x2FFFF;
	_ =	strace $0x9FFFFFFF  }
0xc9: {  	(tm) =	ssettm $0x7FFFFFFF  }
tec
execute0_lowered:
.L_overlay_start_1:
0x0: {  	(tag) =	ssettag $0x1  }
0x1: {  	s0 =	srdreg.scid;
	s12 =	stileid.u32  }
0x2: {  	s1 =	rddreg [dreg:$0x0];
	s22 =	sand.u32 $0x1, s0;
	s31 =	sshll.u32 s12, $0x1  }
0x3: {  	s4 =	rddreg [dreg:$0x1];
	s6 =	sor.u32 s22, s31  }
0x4: {  	s2 =	rddreg [dreg:$0x2];
	s3 =	simm.s32 $0x0;
	s10 =	smul.u32 $0x24, s6  }
0x5: {  	s5 =	simm.s32 $0x2;
	[smem:$0x7FF] =	sst s3  }
0x6: {  	s0 =	rddreg [dreg:$0x3];
	_ =	strace $0x80000047;
	s4 =	sadd.s32 s4, s10  }
0x7: {  	[tilespmem:s3], [sflag:$0x2] =	stream.linear.gather [hbm4b:s4+s3], $0x120, $0x38;
	[tilespmem:$0xB500] =	vst v63  }
0x8: {  	_ =	swait.ge [sflag:s5], $0x120  }
0x9: {  	s7 =	simm.s32 $0x180;
	s8 =	simm.s32 $0x1;
	[sflag:s5] =	ssyncset.done $0x0  }
0xa: {  	s9 =	smul.u32 $0x1200, s6;
	s6 =	simm.s32 $0x120;
	[sflag:s5] =	ssyncadd.s32 $0xFFFFFEE0  }
0xb: {  	[tilespmem:s7], [sflag:$0x1] =	stream.indirect.gather [hbm4b:s1+s6], $0x80, s3, s6, $0xb8;
	[tilespmem:$0xB500] =	vst v63  }
0xc: {  	_ =	swait.ge [sflag:s8], $0x9000  }
0xd: {  	s9 =	sadd.s32 s9, s1;
	[sflag:s8] =	ssyncset.done $0x0  }
0xe: {  	s9 =	sadd.s32 $0x20A00, s9;
	[sflag:s8] =	ssyncadd.s32 $0xFFFF7000  }
0xf: {  	[hbm4b:s9+s3] =	stream.linear.scatter [tilespmem:s7], [sflag:$0x2], $0x9000, $0x38;
	[tilespmem:$0xB500] =	vst v63  }
0x10: {  	_ =	swait.ge [sflag:s5], $0x9000  }
0x11: {  	s10 =	sadd.s32 s10, s1;
	[sflag:s5] =	ssyncset.done $0x0  }
0x12: {  	s11 =	simm.s32 $0x9180;
	s10 =	sadd.s32 $0x20000, s10;
	[sflag:s5] =	ssyncadd.s32 $0xFFFF7000  }
0x13: {  	[tilespmem:s11], [sflag:$0x2] =	stream.linear.gather [hbm4b:s10+s3], $0x120, $0x38;
	[tilespmem:$0xB500] =	vst v63  }
0x14: {  	_ =	swait.ge [sflag:s5], $0x120  }
0x15: {  	p0 =	sne.s32 s12, $0x0;
	[sflag:s5] =	ssyncset.done $0x0  }
0x16: {  	s12 =	simm.s32 @p0 $0x9180;
	s13 =	simm.s32 @p0 $0x2;
	[sflag:s5] =	ssyncadd.s32 $0xFFFFFEE0  }
0x17: {  	s14 =	simm.s32 @p0 $0x120;
	s15 =	simm.s32 @p0 $0x0;
	[bflag:$0x0] =	sbarrier.arrive @p0 $0xFFFF  }
0x18: {  	[spmem:s2] =	stream.indirect.scatter.add.s32 @p0 [tilespmem:s12], [sflag:$0x2], $0x1, s15, s14, $0xb8;
	[tilespmem:$0xB500] =	vst v63  }
0x19: {  	_ =	swait.ge @p0 [sflag:s13], $0x120  }
0x1a: {  	[sflag:s13] =	ssyncset.done @p0 $0x0  }
0x1b: {  	s17 =	sadd.s32 $0x20600, s1;
	s16 =	simm.s32 @!p0 $0x2;
	[sflag:s13] =	ssyncadd.s32 @p0 $0xFFFFFEE0  }
0x1c: {  	s18 =	simm.s32 @!p0 $0x0;
	s19 =	simm.s32 @!p0 $0x9300;
	[bflag:$0x0] =	sbarrier.arrive @p0 $0xFFFF  }
0x1d: {  	[tilespmem:s19], [sflag:$0x2] =	stream.linear.gather @!p0 [hbm4b:s17+s18], $0x2000, $0x38;
	[tilespmem:$0xB500] =	vst v63  }
0x1e: {  	_ =	swait.ge @!p0 [sflag:s16], $0x2000  }
0x1f: {  	[sflag:s16] =	ssyncset.done @!p0 $0x0  }
0x20: {  	[sflag:s16] =	ssyncadd.s32 @!p0 $0xFFFFE000  }
0x21: {  	[spmem:s2] =	stream.linear.scatter @!p0 [tilespmem:s19], [sflag:$0x2], $0x2000, $0x38;
	[tilespmem:$0xB500] =	vst v63  }
0x22: {  	_ =	swait.ge @!p0 [sflag:s16], $0x2000  }
0x23: {  	[sflag:s16] =	ssyncset.done @!p0 $0x0  }
0x24: {  	s20 =	simm.s32 @!p0 $0x120;
	[sflag:s16] =	ssyncadd.s32 @!p0 $0xFFFFE000  }
0x25: {  	s21 =	simm.s32 @!p0 $0x9180;
	s23 =	ssub.s32 $0x2, s22;
	[bflag:$0x0] =	sbarrier.arrive @!p0 $0xFFFF  }
0x26: {  	[spmem:s2] =	stream.indirect.scatter.add.s32 @!p0 [tilespmem:s21], [sflag:$0x2], $0x1, s18, s20, $0xb8;
	[tilespmem:$0xB500] =	vst v63  }
0x27: {  	s24 =	sshrl.u32 s23, $0x1;
	_ =	swait.ge @!p0 [sflag:s16], $0x120  }
0x28: {  	s23 =	ssub.s32 s23, s24;
	[sflag:s16] =	ssyncset.done @!p0 $0x0  }
0x29: {  	s23 =	smax.u32 s23, $0x1;
	[sflag:s16] =	ssyncadd.s32 @!p0 $0xFFFFFEE0  }
0x2a: {  	s22 =	sshll.u32 s22, $0x4;
	s23 =	sadd.s32 $0xFFFFFFFF, s23;
	[bflag:$0x0] =	sbarrier.arrive @!p0 $0xFFFF  }
0x2b: {  	[tilespmem:s19], [sflag:$0x2] =	stream.linear.gather @!p0 [spmem:s2], $0x2000, $0x38;
	[tilespmem:$0xB500] =	vst v63  }
0x2c: {  	s25 =	simm.s32 @!p0 $0x100;
	p1 =	sne.s32 s23, $0x0;
	_ =	swait.ge @!p0 [sflag:s16], $0x2000  }
.Ltmp0:
0x2d: {  	s22 =	sadd.s32 s22, s1;
	[sflag:s16] =	ssyncset.done @!p0 $0x0;
	(pc) =	sbr.rel @!p1 .LBB2_2-.Ltmp0, $4  }
0x2e: {  	s22 =	sadd.s32 $0x44A00, s22;
	s24 =	simm.s32 @!p0 $0x80;
	[sflag:s16] =	ssyncadd.s32 @!p0 $0xFFFFE000  }
0x2f: {  	[hbm4b:s22+s24] =	stream.strided.scatter @!p0 [tilespmem:s19], [sflag:$0x2], $0x2000, s25, s24, $0x38;
	[tilespmem:$0xB500] =	vst v63  }
0x30: {  	_ =	swait.ge @!p0 [sflag:s16], $0x2000  }
0x31: {  	[sflag:s16] =	ssyncset.done @!p0 $0x0  }
.LBB2_1:
0x32: {  	s23 =	sadd.s32 $0xFFFFFFFF, s23;
	[sflag:s16] =	ssyncadd.s32 @!p0 $0xFFFFE000  }
0x33: {  	[tilespmem:s3], [sflag:$0x2] =	stream.linear.gather [hbm4b:s4+s3], $0x120, $0x38;
	[tilespmem:$0xB500] =	vst v63  }
0x34: {  	p1 =	sne.s32 s23, $0x0;
	_ =	swait.ge [sflag:s5], $0x120  }
0x35: {  	[sflag:s5] =	ssyncset.done $0x0  }
0x36: {  	[sflag:s5] =	ssyncadd.s32 $0xFFFFFEE0  }
0x37: {  	[tilespmem:s7], [sflag:$0x1] =	stream.indirect.gather [hbm4b:s1+s6], $0x80, s3, s6, $0xb8;
	[tilespmem:$0xB500] =	vst v63  }
0x38: {  	_ =	swait.ge [sflag:s8], $0x9000  }
0x39: {  	[sflag:s8] =	ssyncset.done $0x0  }
0x3a: {  	[sflag:s8] =	ssyncadd.s32 $0xFFFF7000  }
0x3b: {  	[hbm4b:s9+s3] =	stream.linear.scatter [tilespmem:s7], [sflag:$0x2], $0x9000, $0x38;
	[tilespmem:$0xB500] =	vst v63  }
0x3c: {  	_ =	swait.ge [sflag:s5], $0x9000  }
0x3d: {  	[sflag:s5] =	ssyncset.done $0x0  }
0x3e: {  	[sflag:s5] =	ssyncadd.s32 $0xFFFF7000  }
0x3f: {  	[tilespmem:s11], [sflag:$0x2] =	stream.linear.gather [hbm4b:s10+s3], $0x120, $0x38;
	[tilespmem:$0xB500] =	vst v63  }
0x40: {  	_ =	swait.ge [sflag:s5], $0x120  }
0x41: {  	[sflag:s5] =	ssyncset.done $0x0  }
0x42: {  	[sflag:s5] =	ssyncadd.s32 $0xFFFFFEE0  }
0x43: {  	[bflag:$0x0] =	sbarrier.arrive @p0 $0xFFFF  }
0x44: {  	[spmem:s2] =	stream.indirect.scatter.add.s32 @p0 [tilespmem:s12], [sflag:$0x2], $0x1, s15, s14, $0xb8;
	[tilespmem:$0xB500] =	vst v63  }
0x45: {  	_ =	swait.ge @p0 [sflag:s13], $0x120  }
0x46: {  	[sflag:s13] =	ssyncset.done @p0 $0x0  }
0x47: {  	[sflag:s13] =	ssyncadd.s32 @p0 $0xFFFFFEE0  }
0x48: {  	[bflag:$0x0] =	sbarrier.arrive @p0 $0xFFFF  }
0x49: {  	[tilespmem:s19], [sflag:$0x2] =	stream.linear.gather @!p0 [hbm4b:s17+s18], $0x2000, $0x38;
	[tilespmem:$0xB500] =	vst v63  }
0x4a: {  	_ =	swait.ge @!p0 [sflag:s16], $0x2000  }
0x4b: {  	[sflag:s16] =	ssyncset.done @!p0 $0x0  }
0x4c: {  	[sflag:s16] =	ssyncadd.s32 @!p0 $0xFFFFE000  }
0x4d: {  	[spmem:s2] =	stream.linear.scatter @!p0 [tilespmem:s19], [sflag:$0x2], $0x2000, $0x38;
	[tilespmem:$0xB500] =	vst v63  }
0x4e: {  	_ =	swait.ge @!p0 [sflag:s16], $0x2000  }
0x4f: {  	[sflag:s16] =	ssyncset.done @!p0 $0x0  }
0x50: {  	[sflag:s16] =	ssyncadd.s32 @!p0 $0xFFFFE000  }
0x51: {  	[bflag:$0x0] =	sbarrier.arrive @!p0 $0xFFFF  }
0x52: {  	[spmem:s2] =	stream.indirect.scatter.add.s32 @!p0 [tilespmem:s21], [sflag:$0x2], $0x1, s18, s20, $0xb8;
	[tilespmem:$0xB500] =	vst v63  }
0x53: {  	_ =	swait.ge @!p0 [sflag:s16], $0x120  }
0x54: {  	[sflag:s16] =	ssyncset.done @!p0 $0x0  }
0x55: {  	[sflag:s16] =	ssyncadd.s32 @!p0 $0xFFFFFEE0  }
0x56: {  	[bflag:$0x0] =	sbarrier.arrive @!p0 $0xFFFF  }
0x57: {  	[tilespmem:s19], [sflag:$0x2] =	stream.linear.gather @!p0 [spmem:s2], $0x2000, $0x38;
	[tilespmem:$0xB500] =	vst v63  }
0x58: {  	_ =	swait.ge @!p0 [sflag:s16], $0x2000  }
.Ltmp1:
0x59: {  	[sflag:s16] =	ssyncset.done @!p0 $0x0;
	(pc) =	sbr.rel @p1 .LBB2_1-.Ltmp1, $4  }
0x5a: {  	[sflag:s16] =	ssyncadd.s32 @!p0 $0xFFFFE000  }
0x5b: {  	[hbm4b:s22+s24] =	stream.strided.scatter @!p0 [tilespmem:s19], [sflag:$0x2], $0x2000, s25, s24, $0x38;
	[tilespmem:$0xB500] =	vst v63  }
0x5c: {  	_ =	swait.ge @!p0 [sflag:s16], $0x2000  }
0x5d: {  	[sflag:s16] =	ssyncset.done @!p0 $0x0  }
.LBB2_2:
0x5e: {  	[sflag:s16] =	ssyncadd.s32 @!p0 $0xFFFFE000  }
0x5f: {  	_ =	sfence.sel $0x180000  }
0x60: {  	[bflag:$0x0] =	sbarrier.arrive $0xFFFF  }
0x61: {  	_ =	strace $0x90000047  }
0x62: {  	s0 =	sadd.s32 @!p0 $0x100000, s0;
	[bflag:$0x2] =	sbarrier.arrive $0xFFFF  }
0x63: {  	[sflag:s0] =	ssyncadd.tile.s32 @!p0 $0x1;
	_ =	shalt  }
.Lfunc_end2:
_tile_overlayer_lowered:
.L_overlay_start_2:
0x64: {  	(tag) =	ssettag $0x2  }
0x65: {  	s0 =	rddreg [dreg:$0x0];
	s2 =	stileid.u32  }
0x66: {  	s1 =	rddreg [dreg:$0x1];
	p0 =	sne.s32 s2, $0x0  }
0x67: {  	s3 =	rddreg [dreg:$0x2];
	[bflag:$0x3] =	sbarrier.arrive $0xFFFF;
	s2 =	simm.s32 @!p0 $0x1C02  }
0x68: {  	[timem:s3], [sflag:s2] =	dma.local @!p0 [hbm:s0], s1  }
0x69: {  	s0 =	simm.s32 @!p0 $0x2  }
0x6a: {  	_ =	swait.ge @!p0 [sflag:s0], s1  }
0x6b: {  	s1 =	ssub.s32 @!p0 $0x0, s1;
	[sflag:s0] =	ssyncset.done @!p0 $0x0  }
0x6c: {  	[sflag:s0] =	ssyncadd.s32 @!p0 s1  }
0x6d: {  	[bflag:$0x3] =	sbarrier.arrive $0xFFFF  }
0x6e: {  	_ =	shalt  }

</sc_bundles>
